<compile_context>
chip_gen: v7x
topology: tpu7x:2x2x1
jax: 0.10.2.dev20260603
libtpu: 0.0.44.dev20260713+nightly
codegen_flags: <defaults>
</compile_context>

<pallas_src>
import functools

import jax
import jax.numpy as jnp
from jax import lax
from jax.experimental import pallas as pl
from jax.experimental.pallas import tpu as pltpu
from jax.experimental.pallas import tpu_sc as plsc

_B, _D, _LAT, _K = 4096, 512, 256, 8192
_H1, _H2 = 512, 256
_BM = 512
_NK = 2048


def _encvq_body(x_ref, w1_ref, b1_ref, w2_ref, b2_ref, w3_ref, b3_ref, e_ref,
                ze_ref, idx_ref):
    x = x_ref[...]
    h = jnp.maximum(
        jnp.dot(x, w1_ref[...], preferred_element_type=jnp.float32) + b1_ref[...], 0.0)
    h = jnp.maximum(
        jnp.dot(h, w2_ref[...], preferred_element_type=jnp.float32) + b2_ref[...], 0.0)
    z = jnp.dot(h, w3_ref[...], preferred_element_type=jnp.float32) + b3_ref[...]
    ze_ref[...] = z
    z2 = z * z
    acc = z2[:, 0:8]
    for t in range(1, _LAT // 8):
        acc = acc + z2[:, 8 * t : 8 * t + 8]
    a4 = acc[:, :4] + acc[:, 4:]
    a2 = a4[:, :2] + a4[:, 2:]
    c = a2[:, 0:1] + a2[:, 1:2]
    best = None
    besti = None
    for t in range(_K // _NK):
        ek = e_ref[pl.ds(t * _NK, _NK), :]
        s = jnp.sum(ek * ek, axis=1)
        p = lax.dot_general(z, ek, (((1,), (1,)), ((), ())),
                            preferred_element_type=jnp.float32)
        d2 = (c + s[None, :]) - 2.0 * p
        dist = jnp.sqrt(jnp.maximum(d2, 0.0))
        m = jnp.min(dist, axis=1, keepdims=True)
        iota = lax.broadcasted_iota(jnp.int32, (_BM, _NK), 1)
        cand = jnp.where(dist == m, iota, _NK)
        a = jnp.min(cand, axis=1, keepdims=True) + t * _NK
        if best is None:
            best, besti = m, a
        else:
            upd = m < best
            best = jnp.where(upd, m, best)
            besti = jnp.where(upd, a, besti)
    idx_ref[...] = besti


def _dec_body(zq_ref, w4_ref, b4_ref, w5_ref, b5_ref, w6_ref, b6_ref, out_ref):
    g = jnp.maximum(
        jnp.dot(zq_ref[...], w4_ref[...], preferred_element_type=jnp.float32) + b4_ref[...], 0.0)
    g = jnp.maximum(
        jnp.dot(g, w5_ref[...], preferred_element_type=jnp.float32) + b5_ref[...], 0.0)
    out_ref[...] = jnp.dot(g, w6_ref[...], preferred_element_type=jnp.float32) + b6_ref[...]


def _vq_gather(e, idx):
    n = idx.shape[0]
    info = plsc.get_sparse_core_info()
    nc, ns = info.num_cores, info.num_subcores
    nw = nc * ns
    bpw = n // nw
    mesh = plsc.VectorSubcoreMesh(core_axis_name="c", subcore_axis_name="s")

    @functools.partial(
        pl.kernel, mesh=mesh,
        out_type=jax.ShapeDtypeStruct((n, _LAT), jnp.float32),
        scratch_types=[
            pltpu.VMEM((bpw,), jnp.int32),
            pltpu.VMEM((bpw, _LAT), jnp.float32),
            pltpu.SemaphoreType.DMA,
        ],
    )
    def k(table_hbm, idx_hbm, out_hbm, idx_v, rows_v, sem):
        wid = lax.axis_index("s") * nc + lax.axis_index("c")
        base = wid * bpw
        pltpu.sync_copy(idx_hbm.at[pl.ds(base, bpw)], idx_v)
        pltpu.async_copy(table_hbm.at[idx_v], rows_v, sem).wait()
        pltpu.sync_copy(rows_v, out_hbm.at[pl.ds(base, bpw)])

    return k(e, idx)


def _full(shape):
    return pl.BlockSpec(shape, lambda i: tuple(0 for _ in shape))


def _encvq_call(x, W1, b1, W2, b2, W3, b3, E, nb):
    return pl.pallas_call(
        _encvq_body,
        grid=(nb,),
        in_specs=[
            pl.BlockSpec((_BM, _D), lambda i: (i, 0)),
            _full((_D, _H1)), _full((1, _H1)),
            _full((_H1, _H2)), _full((1, _H2)),
            _full((_H2, _LAT)), _full((1, _LAT)),
            _full((_K, _LAT)),
        ],
        out_specs=[
            pl.BlockSpec((_BM, _LAT), lambda i: (i, 0)),
            pl.BlockSpec((_BM, 1), lambda i: (i, 0)),
        ],
        out_shape=[
            jax.ShapeDtypeStruct((nb * _BM, _LAT), jnp.float32),
            jax.ShapeDtypeStruct((nb * _BM, 1), jnp.int32),
        ],
    )(x, W1, b1.reshape(1, -1), W2, b2.reshape(1, -1), W3, b3.reshape(1, -1), E)


def _dec_call(zq, W4, b4, W5, b5, W6, b6, nb):
    return pl.pallas_call(
        _dec_body,
        grid=(nb,),
        in_specs=[
            pl.BlockSpec((_BM, _LAT), lambda i: (i, 0)),
            _full((_LAT, _H2)), _full((1, _H2)),
            _full((_H2, _H1)), _full((1, _H1)),
            _full((_H1, _D)), _full((1, _D)),
        ],
        out_specs=pl.BlockSpec((_BM, _D), lambda i: (i, 0)),
        out_shape=jax.ShapeDtypeStruct((nb * _BM, _D), jnp.float32),
    )(zq, W4, b4.reshape(1, -1), W5, b5.reshape(1, -1), W6, b6.reshape(1, -1))


_NSPLIT = 2


def kernel(x, W1, b1, W2, b2, W3, b3, E, W4, b4, W5, b5, W6, b6):
    ze, idx2 = _encvq_call(x, W1, b1, W2, b2, W3, b3, E, _B // _BM)
    indices = idx2.reshape(_B)
    zq = _vq_gather(E, indices)
    xr = _dec_call(zq, W4, b4, W5, b5, W6, b6, _B // _BM)
    return (xr, ze, zq, indices)

# --- scband reference (transcript-rebuilt; emitter-appended) ---
"""Pipeline reference for scband-simple-vqvae-11759620457004 (READ-ONLY COPY).

The authoritative reference and input builder live on the scoring server;
editing this copy changes nothing except your own understanding.
"""

import jax, jax.numpy as jnp
import numpy as np

B = 4096
D = 512
LAT = 256
K = 8192

def _linear_init(k, fan_in, fan_out):
    s = 1.0 / np.sqrt(fan_in)
    kw, kb = jax.random.split(k)
    W = jax.random.uniform(kw, (fan_in, fan_out), minval=-s, maxval=s, dtype=jnp.float32)
    b = jax.random.uniform(kb, (fan_out,), minval=-s, maxval=s, dtype=jnp.float32)
    return W, b

def setup_inputs(seed: int = 0) -> dict:
    key = jax.random.key(seed)
    ks = jax.random.split(key, 8)
    x = jax.random.normal(ks[0], (B, D), dtype=jnp.float32)
    W1, b1 = _linear_init(ks[1], D, 512)
    W2, b2 = _linear_init(ks[2], 512, 256)
    W3, b3 = _linear_init(ks[3], 256, LAT)
    E = jax.random.uniform(ks[4], (K, LAT), minval=-1.0 / K, maxval=1.0 / K, dtype=jnp.float32)
    W4, b4 = _linear_init(ks[5], LAT, 256)
    W5, b5 = _linear_init(ks[6], 256, 512)
    W6, b6 = _linear_init(ks[7], 512, D)
    return {"x": x, "W1": W1, "b1": b1, "W2": W2, "b2": b2, "W3": W3, "b3": b3,
            "E": E, "W4": W4, "b4": b4, "W5": W5, "b5": b5, "W6": W6, "b6": b6}

def reference(x, W1, b1, W2, b2, W3, b3, E, W4, b4, W5, b5, W6, b6):
    # Encoder MLP
    h = jax.nn.relu(x @ W1 + b1)
    h = jax.nn.relu(h @ W2 + b2)
    z_e = h @ W3 + b3
    # Vector quantization: cdist (Euclidean) + argmin + embedding gather
    d2 = (jnp.sum(z_e ** 2, axis=1, keepdims=True)
          + jnp.sum(E ** 2, axis=1)[None, :]
          - 2.0 * (z_e @ E.T))
    distances = jnp.sqrt(jnp.maximum(d2, 0.0))
    indices = jnp.argmin(distances, axis=-1)
    z_q = jnp.take(E, indices, axis=0)
    # Decoder MLP
    g = jax.nn.relu(z_q @ W4 + b4)
    g = jax.nn.relu(g @ W5 + b5)
    x_recon = g @ W6 + b6
    return (x_recon, z_e, z_q, indices)

if __name__ == "__main__":
    import jax
    _d = setup_inputs()
    print(jax.jit(kernel)(*tuple(_d.values())))

</pallas_src>

<mosaic_0001>
#map = affine_map<(d0, d1) -> (0, 0)>
#map1 = affine_map<(d0, d1) -> (0)>
module attributes {stable_mosaic.version = 14 : i64} {
  func.func @k(%arg0: i32, %arg1: i32, %arg2: memref<8192x256xf32, #tpu.memory_space<hbm>>, %arg3: memref<4096xi32, #tpu.memory_space<hbm>>, %arg4: memref<4096x256xf32, #tpu.memory_space<hbm>>, %arg5: memref<128xi32, #tpu.memory_space<vmem>>, %arg6: memref<128x256xf32, #tpu.memory_space<vmem>>, %arg7: memref<!tpu.dma_semaphore, #tpu.memory_space<semaphore_mem>>) attributes {dimension_semantics = [#tpu.dimension_semantics<core_parallel>, #tpu.dimension_semantics<subcore_parallel>], iteration_bounds = array<i64: 2, 16>, scalar_prefetch = 0 : i64, scratch_operands = 3 : i64, tpu.core_type = #tpu.core_type<sc_vector_subcore>, window_params = [{transform_indices = #map}, {transform_indices = #map1}, {transform_indices = #map}]} {
    %mul3A = arith.constant 2 : i32
    %mul3A_0 = arith.muli %arg1, %mul3A : i32
    %add3A = arith.addi %mul3A_0, %arg0 : i32
    %mul3A_1 = arith.constant 128 : i32
    %mul3A_2 = arith.muli %add3A, %mul3A_1 : i32
    "tpu.region"() ({
      %run_scoped3A = tpu.sem_alloc : memref<!tpu.dma_semaphore, #tpu.memory_space<semaphore_mem>>
      %dma_start3A_7 = tpu.memref_slice %arg3[%mul3A_2] : memref<4096xi32, #tpu.memory_space<hbm>> -> memref<128xi32, #tpu.memory_space<hbm>>
      %dma_start3A_8 = tpu.memref_slice %arg3[%mul3A_2] : memref<4096xi32, #tpu.memory_space<hbm>> -> memref<128xi32, #tpu.memory_space<hbm>>
      tpu.enqueue_dma source(%dma_start3A_8 : memref<128xi32, #tpu.memory_space<hbm>>) target(%arg5 : memref<128xi32, #tpu.memory_space<vmem>>) target_semaphore(%run_scoped3A : memref<!tpu.dma_semaphore, #tpu.memory_space<semaphore_mem>>)
      %dma_wait3A_9 = tpu.memref_slice %arg3[%mul3A_2] : memref<4096xi32, #tpu.memory_space<hbm>> -> memref<128xi32, #tpu.memory_space<hbm>>
      %dma_wait3A_10 = tpu.memref_slice %arg3[%mul3A_2] : memref<4096xi32, #tpu.memory_space<hbm>> -> memref<128xi32, #tpu.memory_space<hbm>>
      tpu.wait_dma2 semaphore(%run_scoped3A : memref<!tpu.dma_semaphore, #tpu.memory_space<semaphore_mem>>) src(%dma_wait3A_10 : memref<128xi32, #tpu.memory_space<hbm>>) dst(%arg5 : memref<128xi32, #tpu.memory_space<vmem>>)
      tpu.yield
    }) : () -> ()
    %dma_start3A = arith.constant 0 : i32
    %dma_start3A_3 = arith.constant 0 : i32
    %dma_start3A_4 = tpu.memref_slice %arg2[%dma_start3A, %dma_start3A_3] : memref<8192x256xf32, #tpu.memory_space<hbm>> -> memref<8192x256xf32, #tpu.memory_space<hbm>>
    tpu.enqueue_indirect_dma source(%dma_start3A_4 : memref<8192x256xf32, #tpu.memory_space<hbm>>) target(%arg6 : memref<128x256xf32, #tpu.memory_space<vmem>>) offsets(%arg5 : memref<128xi32, #tpu.memory_space<vmem>>) semaphore(%arg7 : memref<!tpu.dma_semaphore, #tpu.memory_space<semaphore_mem>>)
    %dma_wait3A = arith.constant 0 : i32
    %dma_wait3A_5 = arith.constant 0 : i32
    %dma_wait3A_6 = tpu.memref_slice %arg2[%dma_wait3A, %dma_wait3A_5] : memref<8192x256xf32, #tpu.memory_space<hbm>> -> memref<8192x256xf32, #tpu.memory_space<hbm>>
    tpu.wait_indirect_dma semaphore(%arg7 : memref<!tpu.dma_semaphore, #tpu.memory_space<semaphore_mem>>) src(%dma_wait3A_6 : memref<8192x256xf32, #tpu.memory_space<hbm>>) dst(%arg6 : memref<128x256xf32, #tpu.memory_space<vmem>>)
    "tpu.region"() ({
      %run_scoped3A = tpu.sem_alloc : memref<!tpu.dma_semaphore, #tpu.memory_space<semaphore_mem>>
      %dma_start3A_7 = arith.constant 0 : i32
      %dma_start3A_8 = tpu.memref_slice %arg4[%mul3A_2, %dma_start3A_7] : memref<4096x256xf32, #tpu.memory_space<hbm>> -> memref<128x256xf32, #tpu.memory_space<hbm>>
      %dma_start3A_9 = arith.constant 0 : i32
      %dma_start3A_10 = tpu.memref_slice %arg4[%mul3A_2, %dma_start3A_9] : memref<4096x256xf32, #tpu.memory_space<hbm>> -> memref<128x256xf32, #tpu.memory_space<hbm>>
      tpu.enqueue_dma source(%arg6 : memref<128x256xf32, #tpu.memory_space<vmem>>) target(%dma_start3A_10 : memref<128x256xf32, #tpu.memory_space<hbm>>) target_semaphore(%run_scoped3A : memref<!tpu.dma_semaphore, #tpu.memory_space<semaphore_mem>>)
      %dma_wait3A_11 = arith.constant 0 : i32
      %dma_wait3A_12 = tpu.memref_slice %arg4[%mul3A_2, %dma_wait3A_11] : memref<4096x256xf32, #tpu.memory_space<hbm>> -> memref<128x256xf32, #tpu.memory_space<hbm>>
      %dma_wait3A_13 = arith.constant 0 : i32
      %dma_wait3A_14 = tpu.memref_slice %arg4[%mul3A_2, %dma_wait3A_13] : memref<4096x256xf32, #tpu.memory_space<hbm>> -> memref<128x256xf32, #tpu.memory_space<hbm>>
      tpu.wait_dma2 semaphore(%run_scoped3A : memref<!tpu.dma_semaphore, #tpu.memory_space<semaphore_mem>>) src(%arg6 : memref<128x256xf32, #tpu.memory_space<vmem>>) dst(%dma_wait3A_14 : memref<128x256xf32, #tpu.memory_space<hbm>>)
      tpu.yield
    }) : () -> ()
    return
  }
}

module attributes {stable_mosaic.version = 14 : i64} {
  func.func @_encvq_body(%arg0: i32, %arg1: memref<512x512xf32, #tpu.memory_space<vmem>>, %arg2: memref<512x512xf32, #tpu.memory_space<vmem>>, %arg3: memref<1x512xf32, #tpu.memory_space<vmem>>, %arg4: memref<512x256xf32, #tpu.memory_space<vmem>>, %arg5: memref<1x256xf32, #tpu.memory_space<vmem>>, %arg6: memref<256x256xf32, #tpu.memory_space<vmem>>, %arg7: memref<1x256xf32, #tpu.memory_space<vmem>>, %arg8: memref<8192x256xf32, #tpu.memory_space<vmem>>, %arg9: memref<512x256xf32, #tpu.memory_space<vmem>>, %arg10: memref<512x1xi32, #tpu.memory_space<vmem>>) attributes {dimension_semantics = [#tpu.dimension_semantics<arbitrary>], iteration_bounds = array<i64: 8>, scalar_prefetch = 0 : i64, scratch_operands = 0 : i64, tpu.core_type = #tpu.core_type<tc>, window_params = [{transform_indices = @transform_0, window_bounds = array<i64: 512, 512>}, {pipeline_mode = #tpu.pipeline_mode<synchronous>, transform_indices = @transform_1, window_bounds = array<i64: 512, 512>}, {pipeline_mode = #tpu.pipeline_mode<synchronous>, transform_indices = @transform_2, window_bounds = array<i64: 1, 512>}, {pipeline_mode = #tpu.pipeline_mode<synchronous>, transform_indices = @transform_3, window_bounds = array<i64: 512, 256>}, {pipeline_mode = #tpu.pipeline_mode<synchronous>, transform_indices = @transform_4, window_bounds = array<i64: 1, 256>}, {pipeline_mode = #tpu.pipeline_mode<synchronous>, transform_indices = @transform_5, window_bounds = array<i64: 256, 256>}, {pipeline_mode = #tpu.pipeline_mode<synchronous>, transform_indices = @transform_6, window_bounds = array<i64: 1, 256>}, {pipeline_mode = #tpu.pipeline_mode<synchronous>, transform_indices = @transform_7, window_bounds = array<i64: 8192, 256>}, {transform_indices = @transform_8, window_bounds = array<i64: 512, 256>}, {transform_indices = @transform_9, window_bounds = array<i64: 512, 1>}]} {
    %get3A = arith.constant 0 : index
    %get3A_0 = arith.constant 0 : index
    %get3A_1 = vector.load %arg1[%get3A, %get3A_0] : memref<512x512xf32, #tpu.memory_space<vmem>>, vector<512x512xf32>
    %get3A_2 = arith.constant 0 : index
    %get3A_3 = arith.constant 0 : index
    %get3A_4 = vector.load %arg2[%get3A_2, %get3A_3] : memref<512x512xf32, #tpu.memory_space<vmem>>, vector<512x512xf32>
    %dot_general3A = arith.constant dense<0.000000e+00> : vector<512x512xf32>
    %dot_general3A_5 = tpu.matmul %get3A_1, %get3A_4, %dot_general3A {dimension_numbers = #tpu.dot_dimension_numbers<[1], [0], [0], [1], [0, 0, 1, 1], [], []>, transpose_lhs_hint = false} : vector<512x512xf32>, vector<512x512xf32>, vector<512x512xf32> -> vector<512x512xf32>
    %get3A_6 = arith.constant 0 : index
    %get3A_7 = arith.constant 0 : index
    %get3A_8 = vector.load %arg3[%get3A_6, %get3A_7] : memref<1x512xf32, #tpu.memory_space<vmem>>, vector<1x512xf32>
    %add3A = vector.broadcast %get3A_8 : vector<1x512xf32> to vector<512x512xf32>
    %add3A_9 = arith.addf %dot_general3A_5, %add3A : vector<512x512xf32>
    %max3A = arith.constant 0.000000e+00 : f32
    %max3A_10 = vector.broadcast %max3A : f32 to vector<512x512xf32>
    %max3A_11 = arith.maximumf %add3A_9, %max3A_10 : vector<512x512xf32>
    %get3A_12 = arith.constant 0 : index
    %get3A_13 = arith.constant 0 : index
    %get3A_14 = vector.load %arg4[%get3A_12, %get3A_13] : memref<512x256xf32, #tpu.memory_space<vmem>>, vector<512x256xf32>
    %dot_general3A_15 = arith.constant dense<0.000000e+00> : vector<512x256xf32>
    %dot_general3A_16 = tpu.matmul %max3A_11, %get3A_14, %dot_general3A_15 {dimension_numbers = #tpu.dot_dimension_numbers<[1], [0], [0], [1], [0, 0, 1, 1], [], []>, transpose_lhs_hint = false} : vector<512x512xf32>, vector<512x256xf32>, vector<512x256xf32> -> vector<512x256xf32>
    %get3A_17 = arith.constant 0 : index
    %get3A_18 = arith.constant 0 : index
    %get3A_19 = vector.load %arg5[%get3A_17, %get3A_18] : memref<1x256xf32, #tpu.memory_space<vmem>>, vector<1x256xf32>
    %add3A_20 = vector.broadcast %get3A_19 : vector<1x256xf32> to vector<512x256xf32>
    %add3A_21 = arith.addf %dot_general3A_16, %add3A_20 : vector<512x256xf32>
    %max3A_22 = arith.constant 0.000000e+00 : f32
    %max3A_23 = vector.broadcast %max3A_22 : f32 to vector<512x256xf32>
    %max3A_24 = arith.maximumf %add3A_21, %max3A_23 : vector<512x256xf32>
    %get3A_25 = arith.constant 0 : index
    %get3A_26 = arith.constant 0 : index
    %get3A_27 = vector.load %arg6[%get3A_25, %get3A_26] : memref<256x256xf32, #tpu.memory_space<vmem>>, vector<256x256xf32>
    %dot_general3A_28 = arith.constant dense<0.000000e+00> : vector<512x256xf32>
    %dot_general3A_29 = tpu.matmul %max3A_24, %get3A_27, %dot_general3A_28 {dimension_numbers = #tpu.dot_dimension_numbers<[1], [0], [0], [1], [0, 0, 1, 1], [], []>, transpose_lhs_hint = false} : vector<512x256xf32>, vector<256x256xf32>, vector<512x256xf32> -> vector<512x256xf32>
    %get3A_30 = arith.constant 0 : index
    %get3A_31 = arith.constant 0 : index
    %get3A_32 = vector.load %arg7[%get3A_30, %get3A_31] : memref<1x256xf32, #tpu.memory_space<vmem>>, vector<1x256xf32>
    %add3A_33 = vector.broadcast %get3A_32 : vector<1x256xf32> to vector<512x256xf32>
    %add3A_34 = arith.addf %dot_general3A_29, %add3A_33 : vector<512x256xf32>
    %swap3A = arith.constant 0 : index
    %swap3A_35 = arith.constant 0 : index
    %swap3A_36 = vector.load %arg9[%swap3A, %swap3A_35] : memref<512x256xf32, #tpu.memory_space<vmem>>, vector<512x256xf32>
    tpu.vector_store %arg9[%swap3A, %swap3A_35], %add3A_34 {strides = array<i32>} : memref<512x256xf32, #tpu.memory_space<vmem>>, vector<512x256xf32>,
    %mul3A = arith.mulf %add3A_34, %add3A_34 : vector<512x256xf32>
    %slice3A = vector.extract_strided_slice %mul3A {offsets = [0, 0], sizes = [512, 8], strides = [1, 1]} : vector<512x256xf32> to vector<512x8xf32>
    %slice3A_37 = vector.extract_strided_slice %mul3A {offsets = [0, 8], sizes = [512, 8], strides = [1, 1]} : vector<512x256xf32> to vector<512x8xf32>
    %add3A_38 = arith.addf %slice3A, %slice3A_37 : vector<512x8xf32>
    %slice3A_39 = vector.extract_strided_slice %mul3A {offsets = [0, 16], sizes = [512, 8], strides = [1, 1]} : vector<512x256xf32> to vector<512x8xf32>
    %add3A_40 = arith.addf %add3A_38, %slice3A_39 : vector<512x8xf32>
    %slice3A_41 = vector.extract_strided_slice %mul3A {offsets = [0, 24], sizes = [512, 8], strides = [1, 1]} : vector<512x256xf32> to vector<512x8xf32>
    %add3A_42 = arith.addf %add3A_40, %slice3A_41 : vector<512x8xf32>
    %slice3A_43 = vector.extract_strided_slice %mul3A {offsets = [0, 32], sizes = [512, 8], strides = [1, 1]} : vector<512x256xf32> to vector<512x8xf32>
    %add3A_44 = arith.addf %add3A_42, %slice3A_43 : vector<512x8xf32>
    %slice3A_45 = vector.extract_strided_slice %mul3A {offsets = [0, 40], sizes = [512, 8], strides = [1, 1]} : vector<512x256xf32> to vector<512x8xf32>
    %add3A_46 = arith.addf %add3A_44, %slice3A_45 : vector<512x8xf32>
    %slice3A_47 = vector.extract_strided_slice %mul3A {offsets = [0, 48], sizes = [512, 8], strides = [1, 1]} : vector<512x256xf32> to vector<512x8xf32>
    %add3A_48 = arith.addf %add3A_46, %slice3A_47 : vector<512x8xf32>
    %slice3A_49 = vector.extract_strided_slice %mul3A {offsets = [0, 56], sizes = [512, 8], strides = [1, 1]} : vector<512x256xf32> to vector<512x8xf32>
    %add3A_50 = arith.addf %add3A_48, %slice3A_49 : vector<512x8xf32>
    %slice3A_51 = vector.extract_strided_slice %mul3A {offsets = [0, 64], sizes = [512, 8], strides = [1, 1]} : vector<512x256xf32> to vector<512x8xf32>
    %add3A_52 = arith.addf %add3A_50, %slice3A_51 : vector<512x8xf32>
    %slice3A_53 = vector.extract_strided_slice %mul3A {offsets = [0, 72], sizes = [512, 8], strides = [1, 1]} : vector<512x256xf32> to vector<512x8xf32>
    %add3A_54 = arith.addf %add3A_52, %slice3A_53 : vector<512x8xf32>
    %slice3A_55 = vector.extract_strided_slice %mul3A {offsets = [0, 80], sizes = [512, 8], strides = [1, 1]} : vector<512x256xf32> to vector<512x8xf32>
    %add3A_56 = arith.addf %add3A_54, %slice3A_55 : vector<512x8xf32>
    %slice3A_57 = vector.extract_strided_slice %mul3A {offsets = [0, 88], sizes = [512, 8], strides = [1, 1]} : vector<512x256xf32> to vector<512x8xf32>
    %add3A_58 = arith.addf %add3A_56, %slice3A_57 : vector<512x8xf32>
    %slice3A_59 = vector.extract_strided_slice %mul3A {offsets = [0, 96], sizes = [512, 8], strides = [1, 1]} : vector<512x256xf32> to vector<512x8xf32>
    %add3A_60 = arith.addf %add3A_58, %slice3A_59 : vector<512x8xf32>
    %slice3A_61 = vector.extract_strided_slice %mul3A {offsets = [0, 104], sizes = [512, 8], strides = [1, 1]} : vector<512x256xf32> to vector<512x8xf32>
    %add3A_62 = arith.addf %add3A_60, %slice3A_61 : vector<512x8xf32>
    %slice3A_63 = vector.extract_strided_slice %mul3A {offsets = [0, 112], sizes = [512, 8], strides = [1, 1]} : vector<512x256xf32> to vector<512x8xf32>
    %add3A_64 = arith.addf %add3A_62, %slice3A_63 : vector<512x8xf32>
    %slice3A_65 = vector.extract_strided_slice %mul3A {offsets = [0, 120], sizes = [512, 8], strides = [1, 1]} : vector<512x256xf32> to vector<512x8xf32>
    %add3A_66 = arith.addf %add3A_64, %slice3A_65 : vector<512x8xf32>
    %slice3A_67 = vector.extract_strided_slice %mul3A {offsets = [0, 128], sizes = [512, 8], strides = [1, 1]} : vector<512x256xf32> to vector<512x8xf32>
    %add3A_68 = arith.addf %add3A_66, %slice3A_67 : vector<512x8xf32>
    %slice3A_69 = vector.extract_strided_slice %mul3A {offsets = [0, 136], sizes = [512, 8], strides = [1, 1]} : vector<512x256xf32> to vector<512x8xf32>
    %add3A_70 = arith.addf %add3A_68, %slice3A_69 : vector<512x8xf32>
    %slice3A_71 = vector.extract_strided_slice %mul3A {offsets = [0, 144], sizes = [512, 8], strides = [1, 1]} : vector<512x256xf32> to vector<512x8xf32>
    %add3A_72 = arith.addf %add3A_70, %slice3A_71 : vector<512x8xf32>
    %slice3A_73 = vector.extract_strided_slice %mul3A {offsets = [0, 152], sizes = [512, 8], strides = [1, 1]} : vector<512x256xf32> to vector<512x8xf32>
    %add3A_74 = arith.addf %add3A_72, %slice3A_73 : vector<512x8xf32>
    %slice3A_75 = vector.extract_strided_slice %mul3A {offsets = [0, 160], sizes = [512, 8], strides = [1, 1]} : vector<512x256xf32> to vector<512x8xf32>
    %add3A_76 = arith.addf %add3A_74, %slice3A_75 : vector<512x8xf32>
    %slice3A_77 = vector.extract_strided_slice %mul3A {offsets = [0, 168], sizes = [512, 8], strides = [1, 1]} : vector<512x256xf32> to vector<512x8xf32>
    %add3A_78 = arith.addf %add3A_76, %slice3A_77 : vector<512x8xf32>
    %slice3A_79 = vector.extract_strided_slice %mul3A {offsets = [0, 176], sizes = [512, 8], strides = [1, 1]} : vector<512x256xf32> to vector<512x8xf32>
    %add3A_80 = arith.addf %add3A_78, %slice3A_79 : vector<512x8xf32>
    %slice3A_81 = vector.extract_strided_slice %mul3A {offsets = [0, 184], sizes = [512, 8], strides = [1, 1]} : vector<512x256xf32> to vector<512x8xf32>
    %add3A_82 = arith.addf %add3A_80, %slice3A_81 : vector<512x8xf32>
    %slice3A_83 = vector.extract_strided_slice %mul3A {offsets = [0, 192], sizes = [512, 8], strides = [1, 1]} : vector<512x256xf32> to vector<512x8xf32>
    %add3A_84 = arith.addf %add3A_82, %slice3A_83 : vector<512x8xf32>
    %slice3A_85 = vector.extract_strided_slice %mul3A {offsets = [0, 200], sizes = [512, 8], strides = [1, 1]} : vector<512x256xf32> to vector<512x8xf32>
    %add3A_86 = arith.addf %add3A_84, %slice3A_85 : vector<512x8xf32>
    %slice3A_87 = vector.extract_strided_slice %mul3A {offsets = [0, 208], sizes = [512, 8], strides = [1, 1]} : vector<512x256xf32> to vector<512x8xf32>
    %add3A_88 = arith.addf %add3A_86, %slice3A_87 : vector<512x8xf32>
    %slice3A_89 = vector.extract_strided_slice %mul3A {offsets = [0, 216], sizes = [512, 8], strides = [1, 1]} : vector<512x256xf32> to vector<512x8xf32>
    %add3A_90 = arith.addf %add3A_88, %slice3A_89 : vector<512x8xf32>
    %slice3A_91 = vector.extract_strided_slice %mul3A {offsets = [0, 224], sizes = [512, 8], strides = [1, 1]} : vector<512x256xf32> to vector<512x8xf32>
    %add3A_92 = arith.addf %add3A_90, %slice3A_91 : vector<512x8xf32>
    %slice3A_93 = vector.extract_strided_slice %mul3A {offsets = [0, 232], sizes = [512, 8], strides = [1, 1]} : vector<512x256xf32> to vector<512x8xf32>
    %add3A_94 = arith.addf %add3A_92, %slice3A_93 : vector<512x8xf32>
    %slice3A_95 = vector.extract_strided_slice %mul3A {offsets = [0, 240], sizes = [512, 8], strides = [1, 1]} : vector<512x256xf32> to vector<512x8xf32>
    %add3A_96 = arith.addf %add3A_94, %slice3A_95 : vector<512x8xf32>
    %slice3A_97 = vector.extract_strided_slice %mul3A {offsets = [0, 248], sizes = [512, 8], strides = [1, 1]} : vector<512x256xf32> to vector<512x8xf32>
    %add3A_98 = arith.addf %add3A_96, %slice3A_97 : vector<512x8xf32>
    %slice3A_99 = vector.extract_strided_slice %add3A_98 {offsets = [0, 0], sizes = [512, 4], strides = [1, 1]} : vector<512x8xf32> to vector<512x4xf32>
    %slice3A_100 = vector.extract_strided_slice %add3A_98 {offsets = [0, 4], sizes = [512, 4], strides = [1, 1]} : vector<512x8xf32> to vector<512x4xf32>
    %add3A_101 = arith.addf %slice3A_99, %slice3A_100 : vector<512x4xf32>
    %slice3A_102 = vector.extract_strided_slice %add3A_101 {offsets = [0, 0], sizes = [512, 2], strides = [1, 1]} : vector<512x4xf32> to vector<512x2xf32>
    %slice3A_103 = vector.extract_strided_slice %add3A_101 {offsets = [0, 2], sizes = [512, 2], strides = [1, 1]} : vector<512x4xf32> to vector<512x2xf32>
    %add3A_104 = arith.addf %slice3A_102, %slice3A_103 : vector<512x2xf32>
    %slice3A_105 = vector.extract_strided_slice %add3A_104 {offsets = [0, 0], sizes = [512, 1], strides = [1, 1]} : vector<512x2xf32> to vector<512x1xf32>
    %slice3A_106 = vector.extract_strided_slice %add3A_104 {offsets = [0, 1], sizes = [512, 1], strides = [1, 1]} : vector<512x2xf32> to vector<512x1xf32>
    %add3A_107 = arith.addf %slice3A_105, %slice3A_106 : vector<512x1xf32>
    %get3A_108 = arith.constant 0 : index
    %get3A_109 = arith.constant 0 : index
    %get3A_110 = vector.load %arg8[%get3A_108, %get3A_109] : memref<8192x256xf32, #tpu.memory_space<vmem>>, vector<2048x256xf32>
    %mul3A_111 = arith.mulf %get3A_110, %get3A_110 : vector<2048x256xf32>
    %reduce_sum3A = arith.constant dense<0.000000e+00> : vector<2048xf32>
    %reduce_sum3A_112 = vector.multi_reduction <add>, %mul3A_111, %reduce_sum3A [1] : vector<2048x256xf32> to vector<2048xf32>
    %dot_general3A_113 = arith.constant dense<0.000000e+00> : vector<512x2048xf32>
    %dot_general3A_114 = tpu.matmul %add3A_34, %get3A_110, %dot_general3A_113 {dimension_numbers = #tpu.dot_dimension_numbers<[1], [1], [0], [0], [0, 0, 1, 0], [], []>, transpose_lhs_hint = false} : vector<512x256xf32>, vector<2048x256xf32>, vector<512x2048xf32> -> vector<512x2048xf32>
    %broadcast_in_dim3A = vector.shape_cast %reduce_sum3A_112 : vector<2048xf32> to vector<1x2048xf32>
    %add3A_115 = vector.broadcast %add3A_107 : vector<512x1xf32> to vector<512x2048xf32>
    %add3A_116 = vector.broadcast %broadcast_in_dim3A : vector<1x2048xf32> to vector<512x2048xf32>
    %add3A_117 = arith.addf %add3A_115, %add3A_116 : vector<512x2048xf32>
    %mul3A_118 = arith.constant 2.000000e+00 : f32
    %mul3A_119 = vector.broadcast %mul3A_118 : f32 to vector<512x2048xf32>
    %mul3A_120 = arith.mulf %mul3A_119, %dot_general3A_114 : vector<512x2048xf32>
    %sub3A = arith.subf %add3A_117, %mul3A_120 : vector<512x2048xf32>
    %max3A_121 = arith.constant 0.000000e+00 : f32
    %max3A_122 = vector.broadcast %max3A_121 : f32 to vector<512x2048xf32>
    %max3A_123 = arith.maximumf %sub3A, %max3A_122 : vector<512x2048xf32>
    %sqrt3A = math.sqrt %max3A_123 : vector<512x2048xf32>
    %reduce_min3A = arith.constant dense<0x7F800000> : vector<512xf32>
    %reduce_min3A_124 = vector.multi_reduction <minimumf>, %sqrt3A, %reduce_min3A [1] : vector<512x2048xf32> to vector<512xf32>
    %broadcast_in_dim3A_125 = vector.shape_cast %reduce_min3A_124 : vector<512xf32> to vector<512x1xf32>
    %iota3A = tpu.iota {dimensions = array<i32: 1>} : vector<512x2048xi32>
    %eq3A = vector.broadcast %broadcast_in_dim3A_125 : vector<512x1xf32> to vector<512x2048xf32>
    %eq3A_126 = arith.cmpf oeq, %sqrt3A, %eq3A : vector<512x2048xf32>
    %jit3A = arith.constant 2048 : i32
    %broadcast_in_dim3A_127 = vector.broadcast %jit3A : i32 to vector<512x2048xi32>
    %select_n3A = arith.select %eq3A_126, %iota3A, %broadcast_in_dim3A_127 : vector<512x2048xi1>, vector<512x2048xi32>
    %reduce_min3A_128 = arith.constant dense<2147483647> : vector<512xi32>
    %reduce_min3A_129 = vector.multi_reduction <minsi>, %select_n3A, %reduce_min3A_128 [1] : vector<512x2048xi32> to vector<512xi32>
    %broadcast_in_dim3A_130 = vector.shape_cast %reduce_min3A_129 : vector<512xi32> to vector<512x1xi32>
    %add3A_131 = arith.constant 0 : i32
    %add3A_132 = vector.broadcast %add3A_131 : i32 to vector<512x1xi32>
    %add3A_133 = arith.addi %broadcast_in_dim3A_130, %add3A_132 : vector<512x1xi32>
    %get3A_134 = arith.constant 2048 : index
    %get3A_135 = arith.constant 0 : index
    %get3A_136 = vector.load %arg8[%get3A_134, %get3A_135] : memref<8192x256xf32, #tpu.memory_space<vmem>>, vector<2048x256xf32>
    %mul3A_137 = arith.mulf %get3A_136, %get3A_136 : vector<2048x256xf32>
    %reduce_sum3A_138 = arith.constant dense<0.000000e+00> : vector<2048xf32>
    %reduce_sum3A_139 = vector.multi_reduction <add>, %mul3A_137, %reduce_sum3A_138 [1] : vector<2048x256xf32> to vector<2048xf32>
    %dot_general3A_140 = arith.constant dense<0.000000e+00> : vector<512x2048xf32>
    %dot_general3A_141 = tpu.matmul %add3A_34, %get3A_136, %dot_general3A_140 {dimension_numbers = #tpu.dot_dimension_numbers<[1], [1], [0], [0], [0, 0, 1, 0], [], []>, transpose_lhs_hint = false} : vector<512x256xf32>, vector<2048x256xf32>, vector<512x2048xf32> -> vector<512x2048xf32>
    %broadcast_in_dim3A_142 = vector.shape_cast %reduce_sum3A_139 : vector<2048xf32> to vector<1x2048xf32>
    %add3A_143 = vector.broadcast %add3A_107 : vector<512x1xf32> to vector<512x2048xf32>
    %add3A_144 = vector.broadcast %broadcast_in_dim3A_142 : vector<1x2048xf32> to vector<512x2048xf32>
    %add3A_145 = arith.addf %add3A_143, %add3A_144 : vector<512x2048xf32>
    %mul3A_146 = arith.constant 2.000000e+00 : f32
    %mul3A_147 = vector.broadcast %mul3A_146 : f32 to vector<512x2048xf32>
    %mul3A_148 = arith.mulf %mul3A_147, %dot_general3A_141 : vector<512x2048xf32>
    %sub3A_149 = arith.subf %add3A_145, %mul3A_148 : vector<512x2048xf32>
    %max3A_150 = arith.constant 0.000000e+00 : f32
    %max3A_151 = vector.broadcast %max3A_150 : f32 to vector<512x2048xf32>
    %max3A_152 = arith.maximumf %sub3A_149, %max3A_151 : vector<512x2048xf32>
    %sqrt3A_153 = math.sqrt %max3A_152 : vector<512x2048xf32>
    %reduce_min3A_154 = arith.constant dense<0x7F800000> : vector<512xf32>
    %reduce_min3A_155 = vector.multi_reduction <minimumf>, %sqrt3A_153, %reduce_min3A_154 [1] : vector<512x2048xf32> to vector<512xf32>
    %broadcast_in_dim3A_156 = vector.shape_cast %reduce_min3A_155 : vector<512xf32> to vector<512x1xf32>
    %iota3A_157 = tpu.iota {dimensions = array<i32: 1>} : vector<512x2048xi32>
    %eq3A_158 = vector.broadcast %broadcast_in_dim3A_156 : vector<512x1xf32> to vector<512x2048xf32>
    %eq3A_159 = arith.cmpf oeq, %sqrt3A_153, %eq3A_158 : vector<512x2048xf32>
    %jit3A_160 = arith.constant 2048 : i32
    %broadcast_in_dim3A_161 = vector.broadcast %jit3A_160 : i32 to vector<512x2048xi32>
    %select_n3A_162 = arith.select %eq3A_159, %iota3A_157, %broadcast_in_dim3A_161 : vector<512x2048xi1>, vector<512x2048xi32>
    %reduce_min3A_163 = arith.constant dense<2147483647> : vector<512xi32>
    %reduce_min3A_164 = vector.multi_reduction <minsi>, %select_n3A_162, %reduce_min3A_163 [1] : vector<512x2048xi32> to vector<512xi32>
    %broadcast_in_dim3A_165 = vector.shape_cast %reduce_min3A_164 : vector<512xi32> to vector<512x1xi32>
    %add3A_166 = arith.constant 2048 : i32
    %add3A_167 = vector.broadcast %add3A_166 : i32 to vector<512x1xi32>
    %add3A_168 = arith.addi %broadcast_in_dim3A_165, %add3A_167 : vector<512x1xi32>
    %lt3A = arith.cmpf olt, %broadcast_in_dim3A_156, %broadcast_in_dim3A_125 : vector<512x1xf32>
    %select_n3A_169 = arith.select %lt3A, %broadcast_in_dim3A_156, %broadcast_in_dim3A_125 : vector<512x1xi1>, vector<512x1xf32>
    %select_n3A_170 = arith.select %lt3A, %add3A_168, %add3A_133 : vector<512x1xi1>, vector<512x1xi32>
    %get3A_171 = arith.constant 4096 : index
    %get3A_172 = arith.constant 0 : index
    %get3A_173 = vector.load %arg8[%get3A_171, %get3A_172] : memref<8192x256xf32, #tpu.memory_space<vmem>>, vector<2048x256xf32>
    %mul3A_174 = arith.mulf %get3A_173, %get3A_173 : vector<2048x256xf32>
    %reduce_sum3A_175 = arith.constant dense<0.000000e+00> : vector<2048xf32>
    %reduce_sum3A_176 = vector.multi_reduction <add>, %mul3A_174, %reduce_sum3A_175 [1] : vector<2048x256xf32> to vector<2048xf32>
    %dot_general3A_177 = arith.constant dense<0.000000e+00> : vector<512x2048xf32>
    %dot_general3A_178 = tpu.matmul %add3A_34, %get3A_173, %dot_general3A_177 {dimension_numbers = #tpu.dot_dimension_numbers<[1], [1], [0], [0], [0, 0, 1, 0], [], []>, transpose_lhs_hint = false} : vector<512x256xf32>, vector<2048x256xf32>, vector<512x2048xf32> -> vector<512x2048xf32>
    %broadcast_in_dim3A_179 = vector.shape_cast %reduce_sum3A_176 : vector<2048xf32> to vector<1x2048xf32>
    %add3A_180 = vector.broadcast %add3A_107 : vector<512x1xf32> to vector<512x2048xf32>
    %add3A_181 = vector.broadcast %broadcast_in_dim3A_179 : vector<1x2048xf32> to vector<512x2048xf32>
    %add3A_182 = arith.addf %add3A_180, %add3A_181 : vector<512x2048xf32>
    %mul3A_183 = arith.constant 2.000000e+00 : f32
    %mul3A_184 = vector.broadcast %mul3A_183 : f32 to vector<512x2048xf32>
    %mul3A_185 = arith.mulf %mul3A_184, %dot_general3A_178 : vector<512x2048xf32>
    %sub3A_186 = arith.subf %add3A_182, %mul3A_185 : vector<512x2048xf32>
    %max3A_187 = arith.constant 0.000000e+00 : f32
    %max3A_188 = vector.broadcast %max3A_187 : f32 to vector<512x2048xf32>
    %max3A_189 = arith.maximumf %sub3A_186, %max3A_188 : vector<512x2048xf32>
    %sqrt3A_190 = math.sqrt %max3A_189 : vector<512x2048xf32>
    %reduce_min3A_191 = arith.constant dense<0x7F800000> : vector<512xf32>
    %reduce_min3A_192 = vector.multi_reduction <minimumf>, %sqrt3A_190, %reduce_min3A_191 [1] : vector<512x2048xf32> to vector<512xf32>
    %broadcast_in_dim3A_193 = vector.shape_cast %reduce_min3A_192 : vector<512xf32> to vector<512x1xf32>
    %iota3A_194 = tpu.iota {dimensions = array<i32: 1>} : vector<512x2048xi32>
    %eq3A_195 = vector.broadcast %broadcast_in_dim3A_193 : vector<512x1xf32> to vector<512x2048xf32>
    %eq3A_196 = arith.cmpf oeq, %sqrt3A_190, %eq3A_195 : vector<512x2048xf32>
    %jit3A_197 = arith.constant 2048 : i32
    %broadcast_in_dim3A_198 = vector.broadcast %jit3A_197 : i32 to vector<512x2048xi32>
    %select_n3A_199 = arith.select %eq3A_196, %iota3A_194, %broadcast_in_dim3A_198 : vector<512x2048xi1>, vector<512x2048xi32>
    %reduce_min3A_200 = arith.constant dense<2147483647> : vector<512xi32>
    %reduce_min3A_201 = vector.multi_reduction <minsi>, %select_n3A_199, %reduce_min3A_200 [1] : vector<512x2048xi32> to vector<512xi32>
    %broadcast_in_dim3A_202 = vector.shape_cast %reduce_min3A_201 : vector<512xi32> to vector<512x1xi32>
    %add3A_203 = arith.constant 4096 : i32
    %add3A_204 = vector.broadcast %add3A_203 : i32 to vector<512x1xi32>
    %add3A_205 = arith.addi %broadcast_in_dim3A_202, %add3A_204 : vector<512x1xi32>
    %lt3A_206 = arith.cmpf olt, %broadcast_in_dim3A_193, %select_n3A_169 : vector<512x1xf32>
    %select_n3A_207 = arith.select %lt3A_206, %broadcast_in_dim3A_193, %select_n3A_169 : vector<512x1xi1>, vector<512x1xf32>
    %select_n3A_208 = arith.select %lt3A_206, %add3A_205, %select_n3A_170 : vector<512x1xi1>, vector<512x1xi32>
    %get3A_209 = arith.constant 6144 : index
    %get3A_210 = arith.constant 0 : index
    %get3A_211 = vector.load %arg8[%get3A_209, %get3A_210] : memref<8192x256xf32, #tpu.memory_space<vmem>>, vector<2048x256xf32>
    %mul3A_212 = arith.mulf %get3A_211, %get3A_211 : vector<2048x256xf32>
    %reduce_sum3A_213 = arith.constant dense<0.000000e+00> : vector<2048xf32>
    %reduce_sum3A_214 = vector.multi_reduction <add>, %mul3A_212, %reduce_sum3A_213 [1] : vector<2048x256xf32> to vector<2048xf32>
    %dot_general3A_215 = arith.constant dense<0.000000e+00> : vector<512x2048xf32>
    %dot_general3A_216 = tpu.matmul %add3A_34, %get3A_211, %dot_general3A_215 {dimension_numbers = #tpu.dot_dimension_numbers<[1], [1], [0], [0], [0, 0, 1, 0], [], []>, transpose_lhs_hint = false} : vector<512x256xf32>, vector<2048x256xf32>, vector<512x2048xf32> -> vector<512x2048xf32>
    %broadcast_in_dim3A_217 = vector.shape_cast %reduce_sum3A_214 : vector<2048xf32> to vector<1x2048xf32>
    %add3A_218 = vector.broadcast %add3A_107 : vector<512x1xf32> to vector<512x2048xf32>
    %add3A_219 = vector.broadcast %broadcast_in_dim3A_217 : vector<1x2048xf32> to vector<512x2048xf32>
    %add3A_220 = arith.addf %add3A_218, %add3A_219 : vector<512x2048xf32>
    %mul3A_221 = arith.constant 2.000000e+00 : f32
    %mul3A_222 = vector.broadcast %mul3A_221 : f32 to vector<512x2048xf32>
    %mul3A_223 = arith.mulf %mul3A_222, %dot_general3A_216 : vector<512x2048xf32>
    %sub3A_224 = arith.subf %add3A_220, %mul3A_223 : vector<512x2048xf32>
    %max3A_225 = arith.constant 0.000000e+00 : f32
    %max3A_226 = vector.broadcast %max3A_225 : f32 to vector<512x2048xf32>
    %max3A_227 = arith.maximumf %sub3A_224, %max3A_226 : vector<512x2048xf32>
    %sqrt3A_228 = math.sqrt %max3A_227 : vector<512x2048xf32>
    %reduce_min3A_229 = arith.constant dense<0x7F800000> : vector<512xf32>
    %reduce_min3A_230 = vector.multi_reduction <minimumf>, %sqrt3A_228, %reduce_min3A_229 [1] : vector<512x2048xf32> to vector<512xf32>
    %broadcast_in_dim3A_231 = vector.shape_cast %reduce_min3A_230 : vector<512xf32> to vector<512x1xf32>
    %iota3A_232 = tpu.iota {dimensions = array<i32: 1>} : vector<512x2048xi32>
    %eq3A_233 = vector.broadcast %broadcast_in_dim3A_231 : vector<512x1xf32> to vector<512x2048xf32>
    %eq3A_234 = arith.cmpf oeq, %sqrt3A_228, %eq3A_233 : vector<512x2048xf32>
    %jit3A_235 = arith.constant 2048 : i32
    %broadcast_in_dim3A_236 = vector.broadcast %jit3A_235 : i32 to vector<512x2048xi32>
    %select_n3A_237 = arith.select %eq3A_234, %iota3A_232, %broadcast_in_dim3A_236 : vector<512x2048xi1>, vector<512x2048xi32>
    %reduce_min3A_238 = arith.constant dense<2147483647> : vector<512xi32>
    %reduce_min3A_239 = vector.multi_reduction <minsi>, %select_n3A_237, %reduce_min3A_238 [1] : vector<512x2048xi32> to vector<512xi32>
    %broadcast_in_dim3A_240 = vector.shape_cast %reduce_min3A_239 : vector<512xi32> to vector<512x1xi32>
    %add3A_241 = arith.constant 6144 : i32
    %add3A_242 = vector.broadcast %add3A_241 : i32 to vector<512x1xi32>
    %add3A_243 = arith.addi %broadcast_in_dim3A_240, %add3A_242 : vector<512x1xi32>
    %lt3A_244 = arith.cmpf olt, %broadcast_in_dim3A_231, %select_n3A_207 : vector<512x1xf32>
    %select_n3A_245 = arith.select %lt3A_244, %add3A_243, %select_n3A_208 : vector<512x1xi1>, vector<512x1xi32>
    %swap3A_246 = arith.constant 0 : index
    %swap3A_247 = arith.constant 0 : index
    %swap3A_248 = vector.load %arg10[%swap3A_246, %swap3A_247] : memref<512x1xi32, #tpu.memory_space<vmem>>, vector<512x1xi32>
    tpu.vector_store %arg10[%swap3A_246, %swap3A_247], %select_n3A_245 {strides = array<i32>} : memref<512x1xi32, #tpu.memory_space<vmem>>, vector<512x1xi32>,
    return
  }
  func.func @transform_0(%arg0: i32) -> (i32, i32) {
    %c0_i32 = arith.constant 0 : i32
    %c0_i32_0 = arith.constant 0 : i32
    return %arg0, %c0_i32 : i32, i32
  }
  func.func @transform_1(%arg0: i32) -> (i32, i32) {
    %c0_i32 = arith.constant 0 : i32
    %c0_i32_0 = arith.constant 0 : i32
    %c0_i32_1 = arith.constant 0 : i32
    return %c0_i32, %c0_i32_0 : i32, i32
  }
  func.func @transform_2(%arg0: i32) -> (i32, i32) {
    %c0_i32 = arith.constant 0 : i32
    %c0_i32_0 = arith.constant 0 : i32
    %c0_i32_1 = arith.constant 0 : i32
    return %c0_i32, %c0_i32_0 : i32, i32
  }
  func.func @transform_3(%arg0: i32) -> (i32, i32) {
    %c0_i32 = arith.constant 0 : i32
    %c0_i32_0 = arith.constant 0 : i32
    %c0_i32_1 = arith.constant 0 : i32
    return %c0_i32, %c0_i32_0 : i32, i32
  }
  func.func @transform_4(%arg0: i32) -> (i32, i32) {
    %c0_i32 = arith.constant 0 : i32
    %c0_i32_0 = arith.constant 0 : i32
    %c0_i32_1 = arith.constant 0 : i32
    return %c0_i32, %c0_i32_0 : i32, i32
  }
  func.func @transform_5(%arg0: i32) -> (i32, i32) {
    %c0_i32 = arith.constant 0 : i32
    %c0_i32_0 = arith.constant 0 : i32
    %c0_i32_1 = arith.constant 0 : i32
    return %c0_i32, %c0_i32_0 : i32, i32
  }
  func.func @transform_6(%arg0: i32) -> (i32, i32) {
    %c0_i32 = arith.constant 0 : i32
    %c0_i32_0 = arith.constant 0 : i32
    %c0_i32_1 = arith.constant 0 : i32
    return %c0_i32, %c0_i32_0 : i32, i32
  }
  func.func @transform_7(%arg0: i32) -> (i32, i32) {
    %c0_i32 = arith.constant 0 : i32
    %c0_i32_0 = arith.constant 0 : i32
    %c0_i32_1 = arith.constant 0 : i32
    return %c0_i32, %c0_i32_0 : i32, i32
  }
  func.func @transform_8(%arg0: i32) -> (i32, i32) {
    %c0_i32 = arith.constant 0 : i32
    %c0_i32_0 = arith.constant 0 : i32
    return %arg0, %c0_i32 : i32, i32
  }
  func.func @transform_9(%arg0: i32) -> (i32, i32) {
    %c0_i32 = arith.constant 0 : i32
    %c0_i32_0 = arith.constant 0 : i32
    return %arg0, %c0_i32 : i32, i32
  }
}

module attributes {stable_mosaic.version = 14 : i64} {
  func.func @_dec_body(%arg0: i32, %arg1: memref<512x256xf32, #tpu.memory_space<vmem>>, %arg2: memref<256x256xf32, #tpu.memory_space<vmem>>, %arg3: memref<1x256xf32, #tpu.memory_space<vmem>>, %arg4: memref<256x512xf32, #tpu.memory_space<vmem>>, %arg5: memref<1x512xf32, #tpu.memory_space<vmem>>, %arg6: memref<512x512xf32, #tpu.memory_space<vmem>>, %arg7: memref<1x512xf32, #tpu.memory_space<vmem>>, %arg8: memref<512x512xf32, #tpu.memory_space<vmem>>) attributes {dimension_semantics = [#tpu.dimension_semantics<arbitrary>], iteration_bounds = array<i64: 8>, scalar_prefetch = 0 : i64, scratch_operands = 0 : i64, tpu.core_type = #tpu.core_type<tc>, window_params = [{transform_indices = @transform_0, window_bounds = array<i64: 512, 256>}, {pipeline_mode = #tpu.pipeline_mode<synchronous>, transform_indices = @transform_1, window_bounds = array<i64: 256, 256>}, {pipeline_mode = #tpu.pipeline_mode<synchronous>, transform_indices = @transform_2, window_bounds = array<i64: 1, 256>}, {pipeline_mode = #tpu.pipeline_mode<synchronous>, transform_indices = @transform_3, window_bounds = array<i64: 256, 512>}, {pipeline_mode = #tpu.pipeline_mode<synchronous>, transform_indices = @transform_4, window_bounds = array<i64: 1, 512>}, {pipeline_mode = #tpu.pipeline_mode<synchronous>, transform_indices = @transform_5, window_bounds = array<i64: 512, 512>}, {pipeline_mode = #tpu.pipeline_mode<synchronous>, transform_indices = @transform_6, window_bounds = array<i64: 1, 512>}, {transform_indices = @transform_7, window_bounds = array<i64: 512, 512>}]} {
    %get3A = arith.constant 0 : index
    %get3A_0 = arith.constant 0 : index
    %get3A_1 = vector.load %arg1[%get3A, %get3A_0] : memref<512x256xf32, #tpu.memory_space<vmem>>, vector<512x256xf32>
    %get3A_2 = arith.constant 0 : index
    %get3A_3 = arith.constant 0 : index
    %get3A_4 = vector.load %arg2[%get3A_2, %get3A_3] : memref<256x256xf32, #tpu.memory_space<vmem>>, vector<256x256xf32>
    %dot_general3A = arith.constant dense<0.000000e+00> : vector<512x256xf32>
    %dot_general3A_5 = tpu.matmul %get3A_1, %get3A_4, %dot_general3A {dimension_numbers = #tpu.dot_dimension_numbers<[1], [0], [0], [1], [0, 0, 1, 1], [], []>, transpose_lhs_hint = false} : vector<512x256xf32>, vector<256x256xf32>, vector<512x256xf32> -> vector<512x256xf32>
    %get3A_6 = arith.constant 0 : index
    %get3A_7 = arith.constant 0 : index
    %get3A_8 = vector.load %arg3[%get3A_6, %get3A_7] : memref<1x256xf32, #tpu.memory_space<vmem>>, vector<1x256xf32>
    %add3A = vector.broadcast %get3A_8 : vector<1x256xf32> to vector<512x256xf32>
    %add3A_9 = arith.addf %dot_general3A_5, %add3A : vector<512x256xf32>
    %max3A = arith.constant 0.000000e+00 : f32
    %max3A_10 = vector.broadcast %max3A : f32 to vector<512x256xf32>
    %max3A_11 = arith.maximumf %add3A_9, %max3A_10 : vector<512x256xf32>
    %get3A_12 = arith.constant 0 : index
    %get3A_13 = arith.constant 0 : index
    %get3A_14 = vector.load %arg4[%get3A_12, %get3A_13] : memref<256x512xf32, #tpu.memory_space<vmem>>, vector<256x512xf32>
    %dot_general3A_15 = arith.constant dense<0.000000e+00> : vector<512x512xf32>
    %dot_general3A_16 = tpu.matmul %max3A_11, %get3A_14, %dot_general3A_15 {dimension_numbers = #tpu.dot_dimension_numbers<[1], [0], [0], [1], [0, 0, 1, 1], [], []>, transpose_lhs_hint = false} : vector<512x256xf32>, vector<256x512xf32>, vector<512x512xf32> -> vector<512x512xf32>
    %get3A_17 = arith.constant 0 : index
    %get3A_18 = arith.constant 0 : index
    %get3A_19 = vector.load %arg5[%get3A_17, %get3A_18] : memref<1x512xf32, #tpu.memory_space<vmem>>, vector<1x512xf32>
    %add3A_20 = vector.broadcast %get3A_19 : vector<1x512xf32> to vector<512x512xf32>
    %add3A_21 = arith.addf %dot_general3A_16, %add3A_20 : vector<512x512xf32>
    %max3A_22 = arith.constant 0.000000e+00 : f32
    %max3A_23 = vector.broadcast %max3A_22 : f32 to vector<512x512xf32>
    %max3A_24 = arith.maximumf %add3A_21, %max3A_23 : vector<512x512xf32>
    %get3A_25 = arith.constant 0 : index
    %get3A_26 = arith.constant 0 : index
    %get3A_27 = vector.load %arg6[%get3A_25, %get3A_26] : memref<512x512xf32, #tpu.memory_space<vmem>>, vector<512x512xf32>
    %dot_general3A_28 = arith.constant dense<0.000000e+00> : vector<512x512xf32>
    %dot_general3A_29 = tpu.matmul %max3A_24, %get3A_27, %dot_general3A_28 {dimension_numbers = #tpu.dot_dimension_numbers<[1], [0], [0], [1], [0, 0, 1, 1], [], []>, transpose_lhs_hint = false} : vector<512x512xf32>, vector<512x512xf32>, vector<512x512xf32> -> vector<512x512xf32>
    %get3A_30 = arith.constant 0 : index
    %get3A_31 = arith.constant 0 : index
    %get3A_32 = vector.load %arg7[%get3A_30, %get3A_31] : memref<1x512xf32, #tpu.memory_space<vmem>>, vector<1x512xf32>
    %add3A_33 = vector.broadcast %get3A_32 : vector<1x512xf32> to vector<512x512xf32>
    %add3A_34 = arith.addf %dot_general3A_29, %add3A_33 : vector<512x512xf32>
    %swap3A = arith.constant 0 : index
    %swap3A_35 = arith.constant 0 : index
    %swap3A_36 = vector.load %arg8[%swap3A, %swap3A_35] : memref<512x512xf32, #tpu.memory_space<vmem>>, vector<512x512xf32>
    tpu.vector_store %arg8[%swap3A, %swap3A_35], %add3A_34 {strides = array<i32>} : memref<512x512xf32, #tpu.memory_space<vmem>>, vector<512x512xf32>,
    return
  }
  func.func @transform_0(%arg0: i32) -> (i32, i32) {
    %c0_i32 = arith.constant 0 : i32
    %c0_i32_0 = arith.constant 0 : i32
    return %arg0, %c0_i32 : i32, i32
  }
  func.func @transform_1(%arg0: i32) -> (i32, i32) {
    %c0_i32 = arith.constant 0 : i32
    %c0_i32_0 = arith.constant 0 : i32
    %c0_i32_1 = arith.constant 0 : i32
    return %c0_i32, %c0_i32_0 : i32, i32
  }
  func.func @transform_2(%arg0: i32) -> (i32, i32) {
    %c0_i32 = arith.constant 0 : i32
    %c0_i32_0 = arith.constant 0 : i32
    %c0_i32_1 = arith.constant 0 : i32
    return %c0_i32, %c0_i32_0 : i32, i32
  }
  func.func @transform_3(%arg0: i32) -> (i32, i32) {
    %c0_i32 = arith.constant 0 : i32
    %c0_i32_0 = arith.constant 0 : i32
    %c0_i32_1 = arith.constant 0 : i32
    return %c0_i32, %c0_i32_0 : i32, i32
  }
  func.func @transform_4(%arg0: i32) -> (i32, i32) {
    %c0_i32 = arith.constant 0 : i32
    %c0_i32_0 = arith.constant 0 : i32
    %c0_i32_1 = arith.constant 0 : i32
    return %c0_i32, %c0_i32_0 : i32, i32
  }
  func.func @transform_5(%arg0: i32) -> (i32, i32) {
    %c0_i32 = arith.constant 0 : i32
    %c0_i32_0 = arith.constant 0 : i32
    %c0_i32_1 = arith.constant 0 : i32
    return %c0_i32, %c0_i32_0 : i32, i32
  }
  func.func @transform_6(%arg0: i32) -> (i32, i32) {
    %c0_i32 = arith.constant 0 : i32
    %c0_i32_0 = arith.constant 0 : i32
    %c0_i32_1 = arith.constant 0 : i32
    return %c0_i32, %c0_i32_0 : i32, i32
  }
  func.func @transform_7(%arg0: i32) -> (i32, i32) {
    %c0_i32 = arith.constant 0 : i32
    %c0_i32_0 = arith.constant 0 : i32
    return %arg0, %c0_i32 : i32, i32
  }
}

</mosaic_0001>

<sc_bundles>
// kernel: kernel.5.cloned.1.call-start
scs
__scs_entry_jumppad:
0x0: {  	(pc) =	sbr.rel $0x88, $3  }
0x1: {  	(tag) =	ssettag $0x0;
	lr =	simm.s32 $0x1  }
0x2: {  	[smem:$0x3F93] =	sst lr;
	_ =	strace $0xD0000000  }
0x3: {  	_ = 	snop  }
0x4: {  	_ = 	snop  }
0x5: {  	_ = 	snop  }
0x6: {  	_ = 	snop  }
0x7: {  	_ = 	snop  }
__scs_overlays_trampoline_lowered:
0x8: {  	[smem:$0x3FA2] =	sst s0  }
0x9: {  	[smem:$0x3FA3] =	sst s1  }
0xa: {  	[smem:$0x3FA4] =	sst s2  }
0xb: {  	[smem:$0x3FA5] =	sst s3  }
0xc: {  	[smem:$0x3FA6] =	sst s4  }
0xd: {  	[smem:$0x3FA7] =	sst s5  }
0xe: {  	[smem:$0x3FA8] =	sst s6  }
0xf: {  	[smem:$0x3FA9] =	sst s7  }
0x10: {  	[smem:$0x3FAA] =	sst s8  }
0x11: {  	[smem:$0x3FAB] =	sst s9;
	s0 =	simm.s32 @!p0 $0x0  }
0x12: {  	s1 =	sld [smem:$0x3F91];
	s0 =	simm.s32 @p0 $0x1  }
0x13: {  	[smem:$0x3FAC] =	sst s0;
	s0 =	simm.s32 @!p1 $0x0  }
0x14: {  	s2 =	sld [smem:$0x3F90];
	s0 =	simm.s32 @p1 $0x1  }
0x15: {  	[smem:$0x3FAD] =	sst s0;
	s0 =	simm.s32 @!p2 $0x0  }
0x16: {  	s3 =	sld [smem:$0x3FDB];
	s0 =	simm.s32 @p2 $0x1  }
0x17: {  	s4 =	simm.s32 $0x1BF5;
	[smem:$0x3FAF] =	sst s0  }
0x18: {  	s0 =	sld [smem:$0x3F92];
	_ =	swait.ge [sflag:s4], $0x0  }
0x19: {  	s7 =	sld [smem:$0x3F93]  }
0x1a: {  	s8 =	sadd.s32 $0xFFFFE003, lr  }
0x1b: {  	s9 =	sadd.s32 $0xFFFFFEF7, lr;
	s5 =	simm.s32 $0xFFFFFFFF;
	p2 =	slt.u32 s8, $0xFFFFF086  }
0x1c: {  	p1 =	slt.u32 s9, $0xF7A;
	s5 =	simm.s32 @!p2 $0x0  }
0x1d: {  	s5 =	simm.s32 @p1 $0x1;
	p0 =	seq.s32 s7, s2  }
0x1e: {  	s7 =	smul.u32 @!p0 $0xF7A, s2;
	p2 =	seq.s32 @!p0 s5, $0x0  }
0x1f: {  	s9 =	smul.u32 $0xF7A, s1;
	s8 =	simm.s32 @!p0 $0x1BF5;
	p2 =	por !p2, p0  }
0x20: {  	[sflag:s8] =	ssyncset.s32 @!p0 $0xFFFFF086;
	s6 =	sadd.s32 @!p0 s3, s7;
	s7 =	simm.s32 @!p0 $0x108  }
0x21: {  	s3 =	sadd.s32 s3, s9;
	s6 =	sadd.s32 @!p0 $0x88, s6;
	s7 =	simm.s32 @p2 $0x1082  }
0x22: {  	[simem:s7], [sflag:s8] =	dma.local @!p0 [hbm:s6], $0xF7A  }
0x23: {  	s9 =	sor.u32 $0xD0000000, s2;
	s6 =	simm.s32 $0x108;
	_ =	swait.ge @!p0 [sflag:s8], $0x0  }
0x24: {  	s3 =	sadd.s32 $0x88, s3;
	s6 =	simm.s32 @!p1 $0x1082;
	[sflag:s4] =	ssyncset.s32 $0xFFFFF086  }
0x25: {  	[simem:s6], [sflag:s4] =	dma.local [hbm:s3], $0xF7A  }
0x26: {  	[smem:$0x3F93] =	sst s1;
	(tag) =	ssettag s2;
	_ =	strace s9  }
0x27: {  	s1 =	sld [smem:$0x3FA3]  }
0x28: {  	s2 =	sld [smem:$0x3FA4]  }
0x29: {  	s4 =	sld [smem:$0x3FA6]  }
0x2a: {  	p0 =	seq.s32 s5, $0x0;
	s5 =	sld [smem:$0x3FA7]  }
0x2b: {  	s6 =	sld [smem:$0x3FA8]  }
0x2c: {  	s7 =	sld [smem:$0x3FA9]  }
0x2d: {  	s3 =	simm.s32 $0x108;
	s8 =	sld [smem:$0x3FAA]  }
0x2e: {  	s3 =	simm.s32 @!p0 $0x1082;
	s9 =	sld [smem:$0x3FAB]  }
0x2f: {  	lr =	sadd.s32 s0, s3;
	s0 =	sld [smem:$0x3FA2]  }
0x30: {  	s3 =	sld [smem:$0x3FA5]  }
0x31: {  	[smem:$0x3FAE] =	sst s10  }
0x32: {  	s10 =	sld [smem:$0x3FAC];
	_ =	sdelay $0x3  }
0x33: {  	p0 =	seq.s32 s10, $0x1;
	s10 =	sld [smem:$0x3FAE];
	_ =	sdelay $0x3  }
0x34: {  	[smem:$0x3FAE] =	sst s10  }
0x35: {  	s10 =	sld [smem:$0x3FAD];
	_ =	sdelay $0x3  }
0x36: {  	p1 =	seq.s32 s10, $0x1;
	s10 =	sld [smem:$0x3FAE];
	_ =	sdelay $0x3  }
0x37: {  	[smem:$0x3FAE] =	sst s10  }
0x38: {  	s10 =	sld [smem:$0x3FAF]  }
0x39: {  	_ = 	snop;
	(pc) =	sbr.ind lr, $3  }
0x3a: {  	_ = 	snop  }
0x3b: {  	_ = 	snop  }
0x3c: {  	p2 =	seq.s32 s10, $0x1;
	s10 =	sld [smem:$0x3FAE]  }
0x3d: {  	_ =	shalt  }
0x3e: {  	_ =	shalt  }
0x3f: {  	_ =	shalt  }
0x40: {  	_ =	shalt  }
0x41: {  	_ =	shalt  }
0x42: {  	_ =	shalt  }
0x43: {  	_ =	shalt  }
0x44: {  	_ =	shalt  }
0x45: {  	_ =	shalt  }
0x46: {  	_ =	shalt  }
0x47: {  	_ =	shalt  }
0x48: {  	_ =	shalt  }
0x49: {  	_ =	shalt  }
0x4a: {  	_ =	shalt  }
0x4b: {  	_ =	shalt  }
0x4c: {  	_ =	shalt  }
0x4d: {  	_ =	shalt  }
0x4e: {  	_ =	shalt  }
0x4f: {  	_ =	shalt  }
0x50: {  	_ =	shalt  }
0x51: {  	_ =	shalt  }
0x52: {  	_ =	shalt  }
0x53: {  	_ =	shalt  }
0x54: {  	_ =	shalt  }
0x55: {  	_ =	shalt  }
0x56: {  	_ =	shalt  }
0x57: {  	_ =	shalt  }
0x58: {  	_ =	shalt  }
0x59: {  	_ =	shalt  }
0x5a: {  	_ =	shalt  }
0x5b: {  	_ =	shalt  }
0x5c: {  	_ =	shalt  }
0x5d: {  	_ =	shalt  }
0x5e: {  	_ =	shalt  }
0x5f: {  	_ =	shalt  }
0x60: {  	_ =	shalt  }
0x61: {  	_ =	shalt  }
0x62: {  	_ =	shalt  }
0x63: {  	_ =	shalt  }
0x64: {  	_ =	shalt  }
0x65: {  	_ =	shalt  }
0x66: {  	_ =	shalt  }
0x67: {  	_ =	shalt  }
0x68: {  	_ =	shalt  }
0x69: {  	_ =	shalt  }
0x6a: {  	_ =	shalt  }
0x6b: {  	_ =	shalt  }
0x6c: {  	_ =	shalt  }
0x6d: {  	_ =	shalt  }
0x6e: {  	_ =	shalt  }
0x6f: {  	_ =	shalt  }
0x70: {  	_ =	shalt  }
0x71: {  	_ =	shalt  }
0x72: {  	_ =	shalt  }
0x73: {  	_ =	shalt  }
0x74: {  	_ =	shalt  }
0x75: {  	_ =	shalt  }
0x76: {  	_ =	shalt  }
0x77: {  	_ =	shalt  }
0x78: {  	_ =	shalt  }
0x79: {  	_ =	shalt  }
0x7a: {  	_ =	shalt  }
0x7b: {  	_ =	shalt  }
0x7c: {  	_ =	shalt  }
0x7d: {  	_ =	shalt  }
0x7e: {  	_ =	shalt  }
0x7f: {  	_ =	shalt  }
0x80: {  	_ =	shalt  }
0x81: {  	_ =	shalt  }
0x82: {  	_ =	shalt  }
0x83: {  	_ =	shalt  }
0x84: {  	_ =	shalt  }
0x85: {  	_ =	shalt  }
0x86: {  	_ =	shalt  }
0x87: {  	_ =	shalt  }
.Lfunc_end0:
.L_simem_size_0:
called_computation_lowered:
.L_overlay_start_0:
0x88: {  	s2 =	sld [smem:$0x3FD9]  }
0x89: {  	s3 =	sld [smem:$0x3FFE];
	_ =	sdelay $0x1  }
0x8a: {  	s1 =	srdreg.scid  }
0x8b: {  	s0 =	sand.u32 $0x1, s1  }
0x8c: {  	s15 =	sshll.u32 s0, $0xA;
	s2 =	sadd.s32 s3, s2  }
0x8d: {  	s2 =	sadd.s32 s2, s15  }
0x8e: {  	[smem:$0x3FBA] =	sst s2  }
0x8f: {  	_ = 	snop  }
0x90: {  	s2 =	sld [smem:$0x3FD0];
	_ =	sdelay $0x2  }
0x91: {  	s4 =	simm.s32 $0xA;
	s5 =	simm.s32 $0x10;
	s16 =	sld [smem:$0x3FC2]  }
0x92: {  	[smem:s5], [sflag:s4] =	dma.local [hbm:s2], $0x1  }
0x93: {  	_ =	swait.eq [sflag:s4], $0x1  }
0x94: {  	[sflag:s4] =	ssyncset.done $0x0  }
0x95: {  	s17 =	sld [smem:$0x12];
	[sflag:s4] =	ssyncadd.s32 $0xFFFFFFFF  }
0x96: {  	s18 =	sld [smem:$0x13];
	(tm) =	ssettm $0x1  }
0x97: {  	s19 =	sld [smem:$0x3FFB];
	_ =	sdelay $0x3  }
0x98: {  	_ =	strace s19  }
0x99: {  	s5 =	sld [smem:$0x3FFC];
	_ =	sdelay $0x3  }
0x9a: {  	_ =	strace s5  }
0x9b: {  	s5 =	sld [smem:$0x3FFD];
	_ =	sdelay $0x3  }
0x9c: {  	_ =	strace s5  }
0x9d: {  	_ =	strace $0x8FFFFFFF  }
0x9e: {  	s20 =	sld [smem:$0x3FDB];
	_ =	sdelay $0x1  }
0x9f: {  	s6 =	simm.s32 $_scs_section_size  }
0xa0: {  	s7 =	simm.s32 $_size__tile_overlayer_lowered;
	s8 =	simm.s32 $_tile_overlayer_lowered  }
0xa1: {  	s23 =	simm.s32 $0x1BFF;
	s22 =	sshll.u32 s8, $0x1;
	s5 =	sadd.s32 s6, s20  }
0xa2: {  	s9 =	simm.s32 $0x0;
	s21 =	sshll.u32 s7, $0x1;
	s7 =	sadd.s32 s22, s5  }
0xa3: {  	[timem:s9], [sflag:s23] =	dma.local [hbm:s7], s21  }
0xa4: {  	_ =	swait.ge [sflag:s23], s21  }
0xa5: {  	s6 =	ssub.s32 $0x0, s21;
	[sflag:s23] =	ssyncset.done $0x0  }
0xa6: {  	[sflag:s23] =	ssyncadd.s32 s6;
	_ =	sdelay $0x1  }
0xa7: {  	s24 =	simm.s32 $0x1B8B  }
0xa8: {  	_ =	swait.ge [sflag:s24], $0x1  }
0xa9: {  	[sflag:s24] =	ssyncset.done $0x0  }
0xaa: {  	s25 =	simm.s32 $0x1B8E;
	[sflag:s24] =	ssyncadd.s32 $0xFFFFFFFF  }
0xab: {  	s26 =	simm.s32 $execute0_lowered;
	[smem:$0x3FD2] =	sst s25  }
0xac: {  	s6 =	sshll.u32 s26, $0x1;
	_ =	strace $0x80000046;
	[dreg:$0x1] =	wrdreg $0xFFFFFFFF  }
0xad: {  	s28 =	simm.s32 $_size_execute0_lowered;
	s5 =	sadd.s32 s5, s6;
	[dreg:$0x0] =	wrdreg $0x0  }
0xae: {  	s6 =	sshll.u32 s28, $0x1;
	[dreg:$0x2] =	wrdreg s5  }
0xaf: {  	[dreg:$0x3] =	wrdreg s6  }
0xb0: {  	[dreg:$0x4] =	wrdreg $0xC0  }
0xb1: {  	_ =	task [dreg:s9], $0x5FFFF  }
0xb2: {  	[dreg:$0x1] =	wrdreg $0xFFFFFFFF  }
0xb3: {  	[dreg:$0x0] =	wrdreg $0x60  }
0xb4: {  	[dreg:$0x2] =	wrdreg s16  }
0xb5: {  	[dreg:$0x3] =	wrdreg s18  }
0xb6: {  	[dreg:$0x4] =	wrdreg s17  }
0xb7: {  	[dreg:$0x5] =	wrdreg $0x9  }
0xb8: {  	_ =	task.clear_ibuf [dreg:s9], $0x6FFFF;
	_ =	strace $0x90000046  }
0xb9: {  	s29 =	simm.s32 $0x9;
	_ =	strace $0x80000048  }
0xba: {  	_ =	swait.ge [sflag:s29], $0x1  }
0xbb: {  	[sflag:s29] =	ssyncadd.s32 $0xFFFFFFFF  }
0xbc: {  	_ =	strace $0x90000048  }
0xbd: {  	_ =	sfence  }
0xbe: {  	s30 =	sld [smem:$0x0];
	_ =	sdelay $0x2  }
0xbf: {  	s31 =	sshll.u32 s1, $0xD;
	s1 =	sshrl.u32 s1, $0x2  }
0xc0: {  	s3 =	sand.u32 $0x4000, s31;
	s1 =	sadd.s32 s1, s30  }
0xc1: {  	s0 =	sor.u32 s3, s0;
	s1 =	sshll.u32 s1, $0x11  }
0xc2: {  	s0 =	sor.u32 s1, s0  }
0xc3: {  	s0 =	sadd.s32 $0x8F2B, s0  }
0xc4: {  	[sflag:s0] =	ssyncadd.remote.s32 $0x1  }
0xc5: {  	_ =	sfence.sel $0xFFFF  }
0xc6: {  	[dreg:$0x0] =	wrdreg $0xFFFFFFFF;
	(pc) =	sbr.abs _section_cstart, $3  }
0xc7: {  	[dreg:$0x1] =	wrdreg $0xFFFFFFFF  }
0xc8: {  	_ =	task.clear_ibuf [dreg:s9], $0x2FFFF;
	_ =	strace $0x9FFFFFFF  }
0xc9: {  	(tm) =	ssettm $0x7FFFFFFF  }
tec
execute0_lowered:
.L_overlay_start_1:
0x0: {  	(tag) =	ssettag $0x1  }
0x1: {  	s1 =	rddreg [dreg:$0x0]  }
0x2: {  	s4 =	rddreg [dreg:$0x1]  }
0x3: {  	s5 =	rddreg [dreg:$0x2]  }
0x4: {  	s0 =	rddreg [dreg:$0x3];
	s3 =	simm.s32 $0x0;
	s6 =	srdreg.scid  }
0x5: {  	s2 =	stileid.u32;
	s10 =	simm.s32 $0x1080;
	s11 =	simm.s32 $0x1880  }
0x6: {  	s12 =	simm.s32 $0x2080;
	s13 =	simm.s32 $0x2880;
	s14 =	simm.s32 $0x3080  }
0x7: {  	s15 =	simm.s32 $0x3880;
	s16 =	simm.s32 $0x4080;
	s17 =	simm.s32 $0x4880  }
0x8: {  	s18 =	simm.s32 $0x5080;
	s19 =	simm.s32 $0x5880;
	s20 =	simm.s32 $0x6080  }
0x9: {  	s21 =	simm.s32 $0x6880;
	s22 =	simm.s32 $0x7080;
	s23 =	simm.s32 $0x7880  }
0xa: {  	s24 =	simm.s32 $0x1;
	[smem:$0x7FF] =	sst s3;
	s6 =	sand.u32 $0x1, s6  }
0xb: {  	s8 =	sshll.u32 s2, $0x8;
	s7 =	ssub.s32 $0x2, s6;
	s6 =	sshll.u32 s6, $0x7  }
0xc: {  	_ =	strace $0x80000047;
	s9 =	sshrl.u32 s7, $0x1;
	s6 =	sor.u32 s6, s8  }
0xd: {  	v2 =	vlaneseq.u32;
	s7 =	ssub.s32 s7, s9;
	s8 =	sshrl.u32 s6, $0x3;
	s6 =	sshll.u32 s6, $0x5  }
0xe: {  	vm0 =	vmmov $0xffff;
	v1 =	vshrl.u32 v2, $0x3;
	s9 =	simm.s32 $0x880;
	s4 =	sadd.s32 s4, s8;
	s5 =	sadd.s32 s5, s6  }
0xf: {  	v0 =	vand.u32 $0x7, v2;
	v2 =	vor.u32 $0x8, v2;
	v1 =	vmul.u32 $0x8, v1;
	s6 =	smax.u32 s7, $0x1;
	s7 =	simm.s32 $0x2;
	s8 =	simm.s32 $0x80  }
.LBB2_1:
0x10: {  	[tilespmem:s3], [sflag:$0x2] =	stream.linear.gather [hbm4b:s4+s3], $0x80, $0x38;
	[tilespmem:$0x8080] =	vst v63  }
0x11: {  	_ =	swait.ge [sflag:s7], $0x80  }
0x12: {  	[sflag:s7] =	ssyncset.done $0x0  }
0x13: {  	[sflag:s7] =	ssyncadd.s32 $0xFFFFFF80  }
0x14: {  	v3 =	vld [tilespmem:$0x0];
	_ =	sdelay $0x4  }
0x15: {  	v4 =	vshll.u32 v3, $0x1  }
0x16: {  	v3 =	vand.u32 $0x7, v3;
	v4 =	vand.u32 $0xFFFFFFF0, v4  }
0x17: {  	v3 =	vor.u32 v3, v4  }
0x18: {  	v4 =	vperm.xlane v3, v0;
	_ =	sdelay $0x1  }
0x19: {  	v3 =	vperm.xlane v3, v2;
	v4 =	vadd.s32 v1, v4;
	_ =	sdelay $0x1  }
0x1a: {  	v3 =	vadd.s32 v1, v3;
	_ =	sdelay $0x2  }
0x1b: {  	[tilespmem:s8], [sflag:$0x1] =	stream.indirect_vreg.gather [hbm4b:s1+s3], $0x80, v4, vm0, $0xb8;
	[tilespmem:$0x8080] =	vst v63  }
0x1c: {  	_ = 	snop  }
0x1d: {  	[tilespmem:s9], [sflag:$0x1] =	stream.indirect_vreg.gather [hbm4b:s1+s3], $0x80, v3, vm0, $0xb8;
	[tilespmem:$0x8080] =	vst v63  }
0x1e: {  	v3 =	vld [tilespmem:$0x10];
	_ =	sdelay $0x4  }
0x1f: {  	v57 =	vshll.u32 v3, $0x1  }
0x20: {  	v3 =	vand.u32 $0x7, v3;
	v4 =	vand.u32 $0xFFFFFFF0, v57  }
0x21: {  	v3 =	vor.u32 v3, v4  }
0x22: {  	v4 =	vperm.xlane v3, v0;
	_ =	sdelay $0x1  }
0x23: {  	v3 =	vperm.xlane v3, v2;
	v4 =	vadd.s32 v1, v4;
	_ =	sdelay $0x1  }
0x24: {  	v3 =	vadd.s32 v1, v3;
	_ =	sdelay $0x2  }
0x25: {  	[tilespmem:s10], [sflag:$0x1] =	stream.indirect_vreg.gather [hbm4b:s1+s3], $0x80, v4, vm0, $0xb8;
	[tilespmem:$0x8080] =	vst v63  }
0x26: {  	_ = 	snop  }
0x27: {  	[tilespmem:s11], [sflag:$0x1] =	stream.indirect_vreg.gather [hbm4b:s1+s3], $0x80, v3, vm0, $0xb8;
	[tilespmem:$0x8080] =	vst v63  }
0x28: {  	v3 =	vld [tilespmem:$0x20];
	_ =	sdelay $0x4  }
0x29: {  	v58 =	vshll.u32 v3, $0x1  }
0x2a: {  	v3 =	vand.u32 $0x7, v3;
	v4 =	vand.u32 $0xFFFFFFF0, v58  }
0x2b: {  	v3 =	vor.u32 v3, v4  }
0x2c: {  	v4 =	vperm.xlane v3, v0;
	_ =	sdelay $0x1  }
0x2d: {  	v3 =	vperm.xlane v3, v2;
	v4 =	vadd.s32 v1, v4;
	_ =	sdelay $0x1  }
0x2e: {  	v3 =	vadd.s32 v1, v3;
	_ =	sdelay $0x2  }
0x2f: {  	[tilespmem:s12], [sflag:$0x1] =	stream.indirect_vreg.gather [hbm4b:s1+s3], $0x80, v4, vm0, $0xb8;
	[tilespmem:$0x8080] =	vst v63  }
0x30: {  	_ = 	snop  }
0x31: {  	[tilespmem:s13], [sflag:$0x1] =	stream.indirect_vreg.gather [hbm4b:s1+s3], $0x80, v3, vm0, $0xb8;
	[tilespmem:$0x8080] =	vst v63  }
0x32: {  	v3 =	vld [tilespmem:$0x30];
	_ =	sdelay $0x4  }
0x33: {  	v59 =	vshll.u32 v3, $0x1  }
0x34: {  	v3 =	vand.u32 $0x7, v3;
	v4 =	vand.u32 $0xFFFFFFF0, v59  }
0x35: {  	v3 =	vor.u32 v3, v4  }
0x36: {  	v4 =	vperm.xlane v3, v0;
	_ =	sdelay $0x1  }
0x37: {  	v3 =	vperm.xlane v3, v2;
	v4 =	vadd.s32 v1, v4;
	_ =	sdelay $0x1  }
0x38: {  	v3 =	vadd.s32 v1, v3;
	_ =	sdelay $0x2  }
0x39: {  	[tilespmem:s14], [sflag:$0x1] =	stream.indirect_vreg.gather [hbm4b:s1+s3], $0x80, v4, vm0, $0xb8;
	[tilespmem:$0x8080] =	vst v63  }
0x3a: {  	_ = 	snop  }
0x3b: {  	[tilespmem:s15], [sflag:$0x1] =	stream.indirect_vreg.gather [hbm4b:s1+s3], $0x80, v3, vm0, $0xb8;
	[tilespmem:$0x8080] =	vst v63  }
0x3c: {  	v3 =	vld [tilespmem:$0x40];
	_ =	sdelay $0x4  }
0x3d: {  	v60 =	vshll.u32 v3, $0x1  }
0x3e: {  	v3 =	vand.u32 $0x7, v3;
	v4 =	vand.u32 $0xFFFFFFF0, v60  }
0x3f: {  	v3 =	vor.u32 v3, v4  }
0x40: {  	v4 =	vperm.xlane v3, v0;
	_ =	sdelay $0x1  }
0x41: {  	v3 =	vperm.xlane v3, v2;
	v4 =	vadd.s32 v1, v4;
	_ =	sdelay $0x1  }
0x42: {  	v3 =	vadd.s32 v1, v3;
	_ =	sdelay $0x2  }
0x43: {  	[tilespmem:s16], [sflag:$0x1] =	stream.indirect_vreg.gather [hbm4b:s1+s3], $0x80, v4, vm0, $0xb8;
	[tilespmem:$0x8080] =	vst v63  }
0x44: {  	_ = 	snop  }
0x45: {  	[tilespmem:s17], [sflag:$0x1] =	stream.indirect_vreg.gather [hbm4b:s1+s3], $0x80, v3, vm0, $0xb8;
	[tilespmem:$0x8080] =	vst v63  }
0x46: {  	v3 =	vld [tilespmem:$0x50];
	_ =	sdelay $0x4  }
0x47: {  	v61 =	vshll.u32 v3, $0x1  }
0x48: {  	v3 =	vand.u32 $0x7, v3;
	v4 =	vand.u32 $0xFFFFFFF0, v61  }
0x49: {  	v3 =	vor.u32 v3, v4  }
0x4a: {  	v4 =	vperm.xlane v3, v0;
	_ =	sdelay $0x1  }
0x4b: {  	v3 =	vperm.xlane v3, v2;
	v4 =	vadd.s32 v1, v4;
	_ =	sdelay $0x1  }
0x4c: {  	v3 =	vadd.s32 v1, v3;
	_ =	sdelay $0x2  }
0x4d: {  	[tilespmem:s18], [sflag:$0x1] =	stream.indirect_vreg.gather [hbm4b:s1+s3], $0x80, v4, vm0, $0xb8;
	[tilespmem:$0x8080] =	vst v63  }
0x4e: {  	_ = 	snop  }
0x4f: {  	[tilespmem:s19], [sflag:$0x1] =	stream.indirect_vreg.gather [hbm4b:s1+s3], $0x80, v3, vm0, $0xb8;
	[tilespmem:$0x8080] =	vst v63  }
0x50: {  	v3 =	vld [tilespmem:$0x60];
	_ =	sdelay $0x4  }
0x51: {  	v62 =	vshll.u32 v3, $0x1  }
0x52: {  	v3 =	vand.u32 $0x7, v3;
	v4 =	vand.u32 $0xFFFFFFF0, v62  }
0x53: {  	v3 =	vor.u32 v3, v4  }
0x54: {  	v4 =	vperm.xlane v3, v0;
	_ =	sdelay $0x1  }
0x55: {  	v3 =	vperm.xlane v3, v2;
	v4 =	vadd.s32 v1, v4;
	_ =	sdelay $0x1  }
0x56: {  	v3 =	vadd.s32 v1, v3;
	_ =	sdelay $0x2  }
0x57: {  	[tilespmem:s20], [sflag:$0x1] =	stream.indirect_vreg.gather [hbm4b:s1+s3], $0x80, v4, vm0, $0xb8;
	[tilespmem:$0x8080] =	vst v63  }
0x58: {  	_ = 	snop  }
0x59: {  	[tilespmem:s21], [sflag:$0x1] =	stream.indirect_vreg.gather [hbm4b:s1+s3], $0x80, v3, vm0, $0xb8;
	[tilespmem:$0x8080] =	vst v63  }
0x5a: {  	v3 =	vld [tilespmem:$0x70];
	_ =	sdelay $0x4  }
0x5b: {  	v63 =	vshll.u32 v3, $0x1  }
0x5c: {  	v3 =	vand.u32 $0x7, v3;
	v4 =	vand.u32 $0xFFFFFFF0, v63  }
0x5d: {  	v3 =	vor.u32 v3, v4  }
0x5e: {  	v4 =	vperm.xlane v3, v0;
	_ =	sdelay $0x1  }
0x5f: {  	v3 =	vperm.xlane v3, v2;
	v4 =	vadd.s32 v1, v4;
	_ =	sdelay $0x1  }
0x60: {  	v3 =	vadd.s32 v1, v3;
	_ =	sdelay $0x2  }
0x61: {  	[tilespmem:s22], [sflag:$0x1] =	stream.indirect_vreg.gather [hbm4b:s1+s3], $0x80, v4, vm0, $0xb8;
	[tilespmem:$0x8080] =	vst v63  }
0x62: {  	_ = 	snop  }
0x63: {  	[tilespmem:s23], [sflag:$0x1] =	stream.indirect_vreg.gather [hbm4b:s1+s3], $0x80, v3, vm0, $0xb8;
	[tilespmem:$0x8080] =	vst v63  }
0x64: {  	_ =	swait.ge [sflag:s24], $0x8000  }
0x65: {  	p0 =	sne.s32 s6, $0x1;
	[sflag:s24] =	ssyncset.done $0x0  }
.Ltmp0:
0x66: {  	[sflag:s24] =	ssyncadd.s32 $0xFFFF8000;
	(pc) =	sbr.rel @p0 .LBB2_1-.Ltmp0, $4  }
0x67: {  	[hbm4b:s5+s3] =	stream.linear.scatter [tilespmem:s8], [sflag:$0x2], $0x8000, $0x38;
	[tilespmem:$0x8080] =	vst v63  }
0x68: {  	_ =	swait.ge [sflag:s7], $0x8000  }
0x69: {  	[sflag:s7] =	ssyncset.done $0x0  }
0x6a: {  	s6 =	sadd.s32 $0xFFFFFFFF, s6;
	[sflag:s7] =	ssyncadd.s32 $0xFFFF8000  }
0x6b: {  	_ =	sfence.sel $0x180000  }
0x6c: {  	[bflag:$0x0] =	sbarrier.arrive $0xFFFF  }
0x6d: {  	p0 =	sne.s32 s2, $0x0;
	_ =	strace $0x90000047  }
0x6e: {  	s0 =	sadd.s32 @!p0 $0x100000, s0;
	[bflag:$0x2] =	sbarrier.arrive $0xFFFF  }
0x6f: {  	[sflag:s0] =	ssyncadd.tile.s32 @!p0 $0x1;
	_ =	shalt  }
.Lfunc_end2:
_tile_overlayer_lowered:
.L_overlay_start_2:
0x70: {  	(tag) =	ssettag $0x2  }
0x71: {  	s0 =	rddreg [dreg:$0x0];
	s2 =	stileid.u32  }
0x72: {  	s1 =	rddreg [dreg:$0x1];
	p0 =	sne.s32 s2, $0x0  }
0x73: {  	s3 =	rddreg [dreg:$0x2];
	[bflag:$0x3] =	sbarrier.arrive $0xFFFF;
	s2 =	simm.s32 @!p0 $0x1C02  }
0x74: {  	[timem:s3], [sflag:s2] =	dma.local @!p0 [hbm:s0], s1  }
0x75: {  	s0 =	simm.s32 @!p0 $0x2  }
0x76: {  	_ =	swait.ge @!p0 [sflag:s0], s1  }
0x77: {  	s1 =	ssub.s32 @!p0 $0x0, s1;
	[sflag:s0] =	ssyncset.done @!p0 $0x0  }
0x78: {  	[sflag:s0] =	ssyncadd.s32 @!p0 s1  }
0x79: {  	[bflag:$0x3] =	sbarrier.arrive $0xFFFF  }
0x7a: {  	_ =	shalt  }

</sc_bundles>
